<compile_context>
chip_gen: v7x
topology: tpu7x:2x2x1
jax: 0.10.2.dev20260603
libtpu: 0.0.44.dev20260713+nightly
codegen_flags: <defaults>
</compile_context>

<pallas_src>
import functools

import jax
jax.config.update('jax_enable_x64', True)
from jax import lax
import jax.numpy as jnp
import numpy as np
from jax.experimental import pallas as pl
from jax.experimental.pallas import tpu as pltpu
from jax.experimental.pallas import tpu_sc as plsc

_VOCAB_SIZE = 30522
_MASK_TOKEN_ID = 103
_PAD_TOKEN_ID = 0
_SHAPE = (128, 8192)
_N = _SHAPE[0] * _SHAPE[1]

_B = np.array([0.8, 0.9, 1.0], dtype=np.float32) * np.float32(0.15)

_U32 = np.uint32


def _threefry2x32(k1, k2, x0, x1):
    rots = ((13, 15, 26, 6), (17, 29, 16, 24))
    ks = (_U32(k1), _U32(k2), _U32(k1) ^ _U32(k2) ^ _U32(0x1BD11BDA))
    x0 = (x0 + ks[0]).astype(_U32)
    x1 = (x1 + ks[1]).astype(_U32)
    for i in range(5):
        for r in rots[i % 2]:
            x0 = (x0 + x1).astype(_U32)
            x1 = ((x1 << _U32(r)) | (x1 >> _U32(32 - r))).astype(_U32)
            x1 = x0 ^ x1
        x0 = (x0 + ks[(i + 1) % 3]).astype(_U32)
        x1 = (x1 + ks[(i + 2) % 3] + _U32(i + 1)).astype(_U32)
    return x0, x1


def _np_split(k):
    b1, b2 = _threefry2x32(k[0], k[1], np.zeros(2, _U32),
                           np.arange(2, dtype=_U32))
    return (b1[0], b2[0]), (b1[1], b2[1])


def _np_bits32(k, n):
    b1, b2 = _threefry2x32(k[0], k[1], np.zeros(n, _U32),
                           np.arange(n, dtype=_U32))
    return b1 ^ b2


def _np_bits64(k, n):
    b1, b2 = _threefry2x32(k[0], k[1], np.zeros(n, _U32),
                           np.arange(n, dtype=_U32))
    return (b1.astype(np.uint64) << np.uint64(32)) | b2.astype(np.uint64)


def _rng_constants():
    key = (_U32(0), _U32(42))
    k1, k2 = _np_split(key)
    fb = (_np_bits32(k1, _N) >> _U32(9)) | _U32(0x3F800000)
    ratio = fb.view(np.float32) - np.float32(1.0)
    ka, kb = _np_split(k2)
    span = np.uint64(_VOCAB_SIZE)
    mult = np.uint64(2**32) % span
    mult = (mult * mult) % span
    rand = ((_np_bits64(ka, _N) % span) * mult + (_np_bits64(kb, _N) % span)) \
        % span
    return ratio.astype(np.float32), rand.astype(np.int32)


_RATIO, _RAND32 = _rng_constants()

_IDX0 = ((_RATIO > _B[0]).astype(np.int32)
         + (_RATIO > _B[1]).astype(np.int32)
         + (_RATIO > _B[2]).astype(np.int32))
_REPL = np.where(_IDX0 == 0, np.int32(_MASK_TOKEN_ID), _RAND32)

_NC = 2
_NS = 16
_NW = _NC * _NS
_PER_W = _N // _NW
_CHUNK = 8192
_NCHUNKS = _PER_W // _CHUNK
_LANES = 16
_NVEC = _CHUNK // _LANES

_ICONST_ROWS = 8


def _sc_body(tok_hbm, repl_hbm, idx0_hbm, ic_hbm,
             mi_hbm, mt_hbm, idx_hbm,
             icv, tv, av, xv, miv, mtv, idxv):
    wid = lax.axis_index("s") * _NC + lax.axis_index("c")
    base = wid * _PER_W
    pltpu.sync_copy(ic_hbm, icv)
    sp_bcast = [icv[pl.ds(k * _LANES, _LANES)] for k in range(5)]
    padv = icv[pl.ds(5 * _LANES, _LANES)]
    one = icv[pl.ds(6 * _LANES, _LANES)]
    three = icv[pl.ds(7 * _LANES, _LANES)]

    def chunk_body(c, carry):
        off = base + c * _CHUNK
        pltpu.sync_copy(tok_hbm.at[pl.ds(off, _CHUNK)], tv)
        pltpu.sync_copy(repl_hbm.at[pl.ds(off, _CHUNK)], av)
        pltpu.sync_copy(idx0_hbm.at[pl.ds(off, _CHUNK)], xv)

        def vec_body(i, carry2):
            sl = pl.ds(i * _LANES, _LANES)
            t = tv[sl]
            x = xv[sl]
            is_sp = (t == sp_bcast[0]) | (t == sp_bcast[1])
            is_sp = is_sp | (t == sp_bcast[2])
            is_sp = is_sp | (t == sp_bcast[3])
            is_sp = is_sp | (t == sp_bcast[4])
            mi = jnp.where(is_sp | (x > one), t, av[sl])
            mt = jnp.where(is_sp | (x == three), padv, t)
            miv[sl] = mi
            mtv[sl] = mt
            idxv[sl] = jnp.where(is_sp, three, x)
            return carry2

        lax.fori_loop(0, _NVEC, vec_body, 0, unroll=4)
        pltpu.sync_copy(miv, mi_hbm.at[pl.ds(off, _CHUNK)])
        pltpu.sync_copy(mtv, mt_hbm.at[pl.ds(off, _CHUNK)])
        pltpu.sync_copy(idxv, idx_hbm.at[pl.ds(off, _CHUNK)])
        return carry

    lax.fori_loop(0, _NCHUNKS, chunk_body, 0)


def _sc_call(tok32, repl, idx0, iconst):
    mesh = plsc.VectorSubcoreMesh(core_axis_name="c", subcore_axis_name="s")
    flat = jax.ShapeDtypeStruct((_N,), jnp.int32)
    buf = pltpu.VMEM((_CHUNK,), jnp.int32)
    run = functools.partial(
        pl.kernel, mesh=mesh,
        out_type=[flat, flat, flat],
        scratch_types=[
            pltpu.VMEM((_ICONST_ROWS * _LANES,), jnp.int32),
            buf, buf, buf, buf, buf, buf,
        ],
    )(_sc_body)
    return run(tok32, repl, idx0, iconst)


_ICONST_TAIL = np.repeat(np.array([_PAD_TOKEN_ID, 1, 3], np.int32), _LANES)


def kernel(tokens, special_ids):
    repl = jnp.asarray(_REPL)
    idx0 = jnp.asarray(_IDX0)
    sp_splat = jnp.repeat(special_ids.astype(jnp.int32), _LANES,
                          total_repeat_length=5 * _LANES)
    iconst = jnp.concatenate([sp_splat, jnp.asarray(_ICONST_TAIL)])
    tok32 = tokens.astype(jnp.int32).reshape(_N)

    with jax.enable_x64(False):
        mi, mt, idx = _sc_call(tok32, repl, idx0, iconst)

    mi64 = mi.reshape(_SHAPE).astype(jnp.int64)
    mt64 = mt.reshape(_SHAPE).astype(jnp.int64)
    return (mi64, mt64, idx.reshape(_SHAPE))

# --- scband reference (transcript-rebuilt; emitter-appended) ---
"""Pipeline reference for scband-mask-mlm-tokens-40836549050556 (READ-ONLY COPY).

The authoritative reference and input builder live on the scoring server;
editing this copy changes nothing except your own understanding.
"""

import jax
jax.config.update('jax_enable_x64', True)
import jax.numpy as jnp
import numpy as np

VOCAB_SIZE = 30522
MASK_TOKEN_ID = 103
PAD_TOKEN_ID = 0
P_MLM = 0.15
P_MASK = 0.8
P_RANDOM = 0.1


def setup_inputs(seed: int = 0) -> dict:
    key = jax.random.key(seed)
    tokens = jax.random.randint(key, (128, 8192), 0, VOCAB_SIZE, dtype=jnp.int64)
    special_ids = jnp.array([0, 100, 101, 102, 103], dtype=jnp.int64)
    return {"tokens": tokens, "special_ids": special_ids}


def reference(tokens, special_ids):
    # ratio = torch.rand_like(tokens, dtype=float32)
    key = jax.random.key(42)
    k1, k2 = jax.random.split(key)
    ratio = jax.random.uniform(k1, tokens.shape, dtype=jnp.float32)
    # ratio[(tokens[..., None] == special_ids).any(-1)] = 1.0
    is_special = (tokens[..., None] == special_ids[None, None, :]).any(axis=-1)
    ratio = jnp.where(is_special, jnp.float32(1.0), ratio)
    # boundaries = [p_mask, p_mask + p_random, 1.0] * p_mlm; index = bucketize(ratio, boundaries)
    boundaries = jnp.array([P_MASK, P_MASK + P_RANDOM, 1.0], dtype=jnp.float32) * P_MLM
    # torch.bucketize(right=False) == searchsorted side='left'
    index = jnp.searchsorted(boundaries, ratio, side='left')
    rand_tokens = jax.random.randint(k2, tokens.shape, 0, VOCAB_SIZE, dtype=tokens.dtype)
    mlm_inputs = jnp.where(index == 0, jnp.asarray(MASK_TOKEN_ID, dtype=tokens.dtype),
                           jnp.where(index == 1, rand_tokens, tokens))
    mlm_targets = jnp.where(index == 3, jnp.asarray(PAD_TOKEN_ID, dtype=tokens.dtype), tokens)
    return (mlm_inputs, mlm_targets, index)

if __name__ == "__main__":
    import jax
    _d = setup_inputs()
    print(jax.jit(kernel)(*tuple(_d.values())))

</pallas_src>

<mosaic_0001>
#map = affine_map<(d0, d1) -> (0)>
module attributes {stable_mosaic.version = 14 : i64} {
  func.func @_sc_body(%arg0: i32, %arg1: i32, %arg2: memref<1048576xi32, #tpu.memory_space<hbm>>, %arg3: memref<1048576xi32, #tpu.memory_space<hbm>>, %arg4: memref<1048576xi32, #tpu.memory_space<hbm>>, %arg5: memref<128xi32, #tpu.memory_space<hbm>>, %arg6: memref<1048576xi32, #tpu.memory_space<hbm>>, %arg7: memref<1048576xi32, #tpu.memory_space<hbm>>, %arg8: memref<1048576xi32, #tpu.memory_space<hbm>>, %arg9: memref<128xi32, #tpu.memory_space<vmem>>, %arg10: memref<8192xi32, #tpu.memory_space<vmem>>, %arg11: memref<8192xi32, #tpu.memory_space<vmem>>, %arg12: memref<8192xi32, #tpu.memory_space<vmem>>, %arg13: memref<8192xi32, #tpu.memory_space<vmem>>, %arg14: memref<8192xi32, #tpu.memory_space<vmem>>, %arg15: memref<8192xi32, #tpu.memory_space<vmem>>) attributes {dimension_semantics = [#tpu.dimension_semantics<core_parallel>, #tpu.dimension_semantics<subcore_parallel>], iteration_bounds = array<i64: 2, 16>, scalar_prefetch = 0 : i64, scratch_operands = 7 : i64, tpu.core_type = #tpu.core_type<sc_vector_subcore>, window_params = [{transform_indices = #map}, {transform_indices = #map}, {transform_indices = #map}, {transform_indices = #map}, {transform_indices = #map}, {transform_indices = #map}, {transform_indices = #map}]} {
    %mul3A = arith.constant 2 : i32
    %mul3A_0 = arith.muli %arg1, %mul3A : i32
    %add3A = arith.addi %mul3A_0, %arg0 : i32
    %mul3A_1 = arith.constant 32768 : i32
    %mul3A_2 = arith.muli %add3A, %mul3A_1 : i32
    "tpu.region"() ({
      %run_scoped3A = tpu.sem_alloc : memref<!tpu.dma_semaphore, #tpu.memory_space<semaphore_mem>>
      tpu.enqueue_dma source(%arg5 : memref<128xi32, #tpu.memory_space<hbm>>) target(%arg9 : memref<128xi32, #tpu.memory_space<vmem>>) target_semaphore(%run_scoped3A : memref<!tpu.dma_semaphore, #tpu.memory_space<semaphore_mem>>)
      tpu.wait_dma2 semaphore(%run_scoped3A : memref<!tpu.dma_semaphore, #tpu.memory_space<semaphore_mem>>) src(%arg5 : memref<128xi32, #tpu.memory_space<hbm>>) dst(%arg9 : memref<128xi32, #tpu.memory_space<vmem>>)
      tpu.yield
    }) : () -> ()
    %get3A = arith.constant 0 : index
    %get3A_3 = tpu.vector_load %arg9[%get3A] {strides = array<i32>} : memref<128xi32, #tpu.memory_space<vmem>>, vector<16xi32>,
    %get3A_4 = vector.shape_cast %get3A_3 : vector<16xi32> to vector<16xi32>
    %get3A_5 = arith.constant 16 : index
    %get3A_6 = tpu.vector_load %arg9[%get3A_5] {strides = array<i32>} : memref<128xi32, #tpu.memory_space<vmem>>, vector<16xi32>,
    %get3A_7 = vector.shape_cast %get3A_6 : vector<16xi32> to vector<16xi32>
    %get3A_8 = arith.constant 32 : index
    %get3A_9 = tpu.vector_load %arg9[%get3A_8] {strides = array<i32>} : memref<128xi32, #tpu.memory_space<vmem>>, vector<16xi32>,
    %get3A_10 = vector.shape_cast %get3A_9 : vector<16xi32> to vector<16xi32>
    %get3A_11 = arith.constant 48 : index
    %get3A_12 = tpu.vector_load %arg9[%get3A_11] {strides = array<i32>} : memref<128xi32, #tpu.memory_space<vmem>>, vector<16xi32>,
    %get3A_13 = vector.shape_cast %get3A_12 : vector<16xi32> to vector<16xi32>
    %get3A_14 = arith.constant 64 : index
    %get3A_15 = tpu.vector_load %arg9[%get3A_14] {strides = array<i32>} : memref<128xi32, #tpu.memory_space<vmem>>, vector<16xi32>,
    %get3A_16 = vector.shape_cast %get3A_15 : vector<16xi32> to vector<16xi32>
    %get3A_17 = arith.constant 80 : index
    %get3A_18 = tpu.vector_load %arg9[%get3A_17] {strides = array<i32>} : memref<128xi32, #tpu.memory_space<vmem>>, vector<16xi32>,
    %get3A_19 = vector.shape_cast %get3A_18 : vector<16xi32> to vector<16xi32>
    %get3A_20 = arith.constant 96 : index
    %get3A_21 = tpu.vector_load %arg9[%get3A_20] {strides = array<i32>} : memref<128xi32, #tpu.memory_space<vmem>>, vector<16xi32>,
    %get3A_22 = vector.shape_cast %get3A_21 : vector<16xi32> to vector<16xi32>
    %get3A_23 = arith.constant 112 : index
    %get3A_24 = tpu.vector_load %arg9[%get3A_23] {strides = array<i32>} : memref<128xi32, #tpu.memory_space<vmem>>, vector<16xi32>,
    %get3A_25 = vector.shape_cast %get3A_24 : vector<16xi32> to vector<16xi32>
    %scan3A = arith.constant 0 : i32
    %scan3A_26 = arith.constant 0 : i32
    %scan3A_27 = arith.constant 4 : i32
    %scan3A_28 = arith.addi %scan3A_26, %scan3A_27 : i32
    %scan3A_29 = arith.constant 1 : i32
    scf.for %scan3A_31 = %scan3A_26 to %scan3A_28 step %scan3A_29  : i32 {
      %mul3A_32 = arith.constant 8192 : i32
      %mul3A_33 = arith.muli %scan3A_31, %mul3A_32 : i32
      %add3A_34 = arith.addi %mul3A_2, %mul3A_33 : i32
      "tpu.region"() ({
        %run_scoped3A = tpu.sem_alloc : memref<!tpu.dma_semaphore, #tpu.memory_space<semaphore_mem>>
        %dma_start3A = tpu.memref_slice %arg2[%add3A_34] : memref<1048576xi32, #tpu.memory_space<hbm>> -> memref<8192xi32, #tpu.memory_space<hbm>>
        %dma_start3A_41 = tpu.memref_slice %arg2[%add3A_34] : memref<1048576xi32, #tpu.memory_space<hbm>> -> memref<8192xi32, #tpu.memory_space<hbm>>
        tpu.enqueue_dma source(%dma_start3A_41 : memref<8192xi32, #tpu.memory_space<hbm>>) target(%arg10 : memref<8192xi32, #tpu.memory_space<vmem>>) target_semaphore(%run_scoped3A : memref<!tpu.dma_semaphore, #tpu.memory_space<semaphore_mem>>)
        %dma_wait3A = tpu.memref_slice %arg2[%add3A_34] : memref<1048576xi32, #tpu.memory_space<hbm>> -> memref<8192xi32, #tpu.memory_space<hbm>>
        %dma_wait3A_42 = tpu.memref_slice %arg2[%add3A_34] : memref<1048576xi32, #tpu.memory_space<hbm>> -> memref<8192xi32, #tpu.memory_space<hbm>>
        tpu.wait_dma2 semaphore(%run_scoped3A : memref<!tpu.dma_semaphore, #tpu.memory_space<semaphore_mem>>) src(%dma_wait3A_42 : memref<8192xi32, #tpu.memory_space<hbm>>) dst(%arg10 : memref<8192xi32, #tpu.memory_space<vmem>>)
        tpu.yield
      }) : () -> ()
      "tpu.region"() ({
        %run_scoped3A = tpu.sem_alloc : memref<!tpu.dma_semaphore, #tpu.memory_space<semaphore_mem>>
        %dma_start3A = tpu.memref_slice %arg3[%add3A_34] : memref<1048576xi32, #tpu.memory_space<hbm>> -> memref<8192xi32, #tpu.memory_space<hbm>>
        %dma_start3A_41 = tpu.memref_slice %arg3[%add3A_34] : memref<1048576xi32, #tpu.memory_space<hbm>> -> memref<8192xi32, #tpu.memory_space<hbm>>
        tpu.enqueue_dma source(%dma_start3A_41 : memref<8192xi32, #tpu.memory_space<hbm>>) target(%arg11 : memref<8192xi32, #tpu.memory_space<vmem>>) target_semaphore(%run_scoped3A : memref<!tpu.dma_semaphore, #tpu.memory_space<semaphore_mem>>)
        %dma_wait3A = tpu.memref_slice %arg3[%add3A_34] : memref<1048576xi32, #tpu.memory_space<hbm>> -> memref<8192xi32, #tpu.memory_space<hbm>>
        %dma_wait3A_42 = tpu.memref_slice %arg3[%add3A_34] : memref<1048576xi32, #tpu.memory_space<hbm>> -> memref<8192xi32, #tpu.memory_space<hbm>>
        tpu.wait_dma2 semaphore(%run_scoped3A : memref<!tpu.dma_semaphore, #tpu.memory_space<semaphore_mem>>) src(%dma_wait3A_42 : memref<8192xi32, #tpu.memory_space<hbm>>) dst(%arg11 : memref<8192xi32, #tpu.memory_space<vmem>>)
        tpu.yield
      }) : () -> ()
      "tpu.region"() ({
        %run_scoped3A = tpu.sem_alloc : memref<!tpu.dma_semaphore, #tpu.memory_space<semaphore_mem>>
        %dma_start3A = tpu.memref_slice %arg4[%add3A_34] : memref<1048576xi32, #tpu.memory_space<hbm>> -> memref<8192xi32, #tpu.memory_space<hbm>>
        %dma_start3A_41 = tpu.memref_slice %arg4[%add3A_34] : memref<1048576xi32, #tpu.memory_space<hbm>> -> memref<8192xi32, #tpu.memory_space<hbm>>
        tpu.enqueue_dma source(%dma_start3A_41 : memref<8192xi32, #tpu.memory_space<hbm>>) target(%arg12 : memref<8192xi32, #tpu.memory_space<vmem>>) target_semaphore(%run_scoped3A : memref<!tpu.dma_semaphore, #tpu.memory_space<semaphore_mem>>)
        %dma_wait3A = tpu.memref_slice %arg4[%add3A_34] : memref<1048576xi32, #tpu.memory_space<hbm>> -> memref<8192xi32, #tpu.memory_space<hbm>>
        %dma_wait3A_42 = tpu.memref_slice %arg4[%add3A_34] : memref<1048576xi32, #tpu.memory_space<hbm>> -> memref<8192xi32, #tpu.memory_space<hbm>>
        tpu.wait_dma2 semaphore(%run_scoped3A : memref<!tpu.dma_semaphore, #tpu.memory_space<semaphore_mem>>) src(%dma_wait3A_42 : memref<8192xi32, #tpu.memory_space<hbm>>) dst(%arg12 : memref<8192xi32, #tpu.memory_space<vmem>>)
        tpu.yield
      }) : () -> ()
      %scan3A_35 = arith.constant 0 : i32
      %scan3A_36 = arith.constant 0 : i32
      %scan3A_37 = arith.constant 512 : i32
      %scan3A_38 = arith.addi %scan3A_36, %scan3A_37 : i32
      %scan3A_39 = arith.constant 4 : i32
      scf.for %scan3A_41 = %scan3A_36 to %scan3A_38 step %scan3A_39  : i32 {
        %mul3A_42 = arith.constant 16 : i32
        %mul3A_43 = arith.muli %scan3A_41, %mul3A_42 : i32
        %get3A_44 = arith.index_cast %mul3A_43 : i32 to index
        %get3A_45 = tpu.vector_load %arg10[%get3A_44] {strides = array<i32>} : memref<8192xi32, #tpu.memory_space<vmem>>, vector<16xi32>,
        %get3A_46 = vector.shape_cast %get3A_45 : vector<16xi32> to vector<16xi32>
        %get3A_47 = arith.index_cast %mul3A_43 : i32 to index
        %get3A_48 = tpu.vector_load %arg12[%get3A_47] {strides = array<i32>} : memref<8192xi32, #tpu.memory_space<vmem>>, vector<16xi32>,
        %get3A_49 = vector.shape_cast %get3A_48 : vector<16xi32> to vector<16xi32>
        %eq3A = arith.cmpi eq, %get3A_46, %get3A_4 : vector<16xi32>
        %eq3A_50 = arith.cmpi eq, %get3A_46, %get3A_7 : vector<16xi32>
        %or3A = arith.ori %eq3A, %eq3A_50 : vector<16xi1>
        %eq3A_51 = arith.cmpi eq, %get3A_46, %get3A_10 : vector<16xi32>
        %or3A_52 = arith.ori %or3A, %eq3A_51 : vector<16xi1>
        %eq3A_53 = arith.cmpi eq, %get3A_46, %get3A_13 : vector<16xi32>
        %or3A_54 = arith.ori %or3A_52, %eq3A_53 : vector<16xi1>
        %eq3A_55 = arith.cmpi eq, %get3A_46, %get3A_16 : vector<16xi32>
        %or3A_56 = arith.ori %or3A_54, %eq3A_55 : vector<16xi1>
        %gt3A = arith.cmpi sgt, %get3A_49, %get3A_22 : vector<16xi32>
        %or3A_57 = arith.ori %or3A_56, %gt3A : vector<16xi1>
        %get3A_58 = arith.index_cast %mul3A_43 : i32 to index
        %get3A_59 = tpu.vector_load %arg11[%get3A_58] {strides = array<i32>} : memref<8192xi32, #tpu.memory_space<vmem>>, vector<16xi32>,
        %get3A_60 = vector.shape_cast %get3A_59 : vector<16xi32> to vector<16xi32>
        %select_n3A = arith.select %or3A_57, %get3A_46, %get3A_60 : vector<16xi1>, vector<16xi32>
        %eq3A_61 = arith.cmpi eq, %get3A_49, %get3A_25 : vector<16xi32>
        %or3A_62 = arith.ori %or3A_56, %eq3A_61 : vector<16xi1>
        %select_n3A_63 = arith.select %or3A_62, %get3A_19, %get3A_46 : vector<16xi1>, vector<16xi32>
        %swap3A = arith.index_cast %mul3A_43 : i32 to index
        %swap3A_64 = tpu.vector_load %arg13[%swap3A] {strides = array<i32>} : memref<8192xi32, #tpu.memory_space<vmem>>, vector<16xi32>,
        %swap3A_65 = vector.shape_cast %swap3A_64 : vector<16xi32> to vector<16xi32>
        %swap3A_66 = vector.shape_cast %select_n3A : vector<16xi32> to vector<16xi32>
        tpu.vector_store %arg13[%swap3A], %swap3A_66 {strides = array<i32>} : memref<8192xi32, #tpu.memory_space<vmem>>, vector<16xi32>,
        %swap3A_67 = arith.index_cast %mul3A_43 : i32 to index
        %swap3A_68 = tpu.vector_load %arg14[%swap3A_67] {strides = array<i32>} : memref<8192xi32, #tpu.memory_space<vmem>>, vector<16xi32>,
        %swap3A_69 = vector.shape_cast %swap3A_68 : vector<16xi32> to vector<16xi32>
        %swap3A_70 = vector.shape_cast %select_n3A_63 : vector<16xi32> to vector<16xi32>
        tpu.vector_store %arg14[%swap3A_67], %swap3A_70 {strides = array<i32>} : memref<8192xi32, #tpu.memory_space<vmem>>, vector<16xi32>,
        %select_n3A_71 = arith.select %or3A_56, %get3A_25, %get3A_49 : vector<16xi1>, vector<16xi32>
        %swap3A_72 = arith.index_cast %mul3A_43 : i32 to index
        %swap3A_73 = tpu.vector_load %arg15[%swap3A_72] {strides = array<i32>} : memref<8192xi32, #tpu.memory_space<vmem>>, vector<16xi32>,
        %swap3A_74 = vector.shape_cast %swap3A_73 : vector<16xi32> to vector<16xi32>
        %swap3A_75 = vector.shape_cast %select_n3A_71 : vector<16xi32> to vector<16xi32>
        tpu.vector_store %arg15[%swap3A_72], %swap3A_75 {strides = array<i32>} : memref<8192xi32, #tpu.memory_space<vmem>>, vector<16xi32>,
        %scan3A_76 = arith.constant 1 : i32
        %scan3A_77 = arith.addi %scan3A_41, %scan3A_76 : i32
        %mul3A_78 = arith.constant 16 : i32
        %mul3A_79 = arith.muli %scan3A_77, %mul3A_78 : i32
        %get3A_80 = arith.index_cast %mul3A_79 : i32 to index
        %get3A_81 = tpu.vector_load %arg10[%get3A_80] {strides = array<i32>} : memref<8192xi32, #tpu.memory_space<vmem>>, vector<16xi32>,
        %get3A_82 = vector.shape_cast %get3A_81 : vector<16xi32> to vector<16xi32>
        %get3A_83 = arith.index_cast %mul3A_79 : i32 to index
        %get3A_84 = tpu.vector_load %arg12[%get3A_83] {strides = array<i32>} : memref<8192xi32, #tpu.memory_space<vmem>>, vector<16xi32>,
        %get3A_85 = vector.shape_cast %get3A_84 : vector<16xi32> to vector<16xi32>
        %eq3A_86 = arith.cmpi eq, %get3A_82, %get3A_4 : vector<16xi32>
        %eq3A_87 = arith.cmpi eq, %get3A_82, %get3A_7 : vector<16xi32>
        %or3A_88 = arith.ori %eq3A_86, %eq3A_87 : vector<16xi1>
        %eq3A_89 = arith.cmpi eq, %get3A_82, %get3A_10 : vector<16xi32>
        %or3A_90 = arith.ori %or3A_88, %eq3A_89 : vector<16xi1>
        %eq3A_91 = arith.cmpi eq, %get3A_82, %get3A_13 : vector<16xi32>
        %or3A_92 = arith.ori %or3A_90, %eq3A_91 : vector<16xi1>
        %eq3A_93 = arith.cmpi eq, %get3A_82, %get3A_16 : vector<16xi32>
        %or3A_94 = arith.ori %or3A_92, %eq3A_93 : vector<16xi1>
        %gt3A_95 = arith.cmpi sgt, %get3A_85, %get3A_22 : vector<16xi32>
        %or3A_96 = arith.ori %or3A_94, %gt3A_95 : vector<16xi1>
        %get3A_97 = arith.index_cast %mul3A_79 : i32 to index
        %get3A_98 = tpu.vector_load %arg11[%get3A_97] {strides = array<i32>} : memref<8192xi32, #tpu.memory_space<vmem>>, vector<16xi32>,
        %get3A_99 = vector.shape_cast %get3A_98 : vector<16xi32> to vector<16xi32>
        %select_n3A_100 = arith.select %or3A_96, %get3A_82, %get3A_99 : vector<16xi1>, vector<16xi32>
        %eq3A_101 = arith.cmpi eq, %get3A_85, %get3A_25 : vector<16xi32>
        %or3A_102 = arith.ori %or3A_94, %eq3A_101 : vector<16xi1>
        %select_n3A_103 = arith.select %or3A_102, %get3A_19, %get3A_82 : vector<16xi1>, vector<16xi32>
        %swap3A_104 = arith.index_cast %mul3A_79 : i32 to index
        %swap3A_105 = tpu.vector_load %arg13[%swap3A_104] {strides = array<i32>} : memref<8192xi32, #tpu.memory_space<vmem>>, vector<16xi32>,
        %swap3A_106 = vector.shape_cast %swap3A_105 : vector<16xi32> to vector<16xi32>
        %swap3A_107 = vector.shape_cast %select_n3A_100 : vector<16xi32> to vector<16xi32>
        tpu.vector_store %arg13[%swap3A_104], %swap3A_107 {strides = array<i32>} : memref<8192xi32, #tpu.memory_space<vmem>>, vector<16xi32>,
        %swap3A_108 = arith.index_cast %mul3A_79 : i32 to index
        %swap3A_109 = tpu.vector_load %arg14[%swap3A_108] {strides = array<i32>} : memref<8192xi32, #tpu.memory_space<vmem>>, vector<16xi32>,
        %swap3A_110 = vector.shape_cast %swap3A_109 : vector<16xi32> to vector<16xi32>
        %swap3A_111 = vector.shape_cast %select_n3A_103 : vector<16xi32> to vector<16xi32>
        tpu.vector_store %arg14[%swap3A_108], %swap3A_111 {strides = array<i32>} : memref<8192xi32, #tpu.memory_space<vmem>>, vector<16xi32>,
        %select_n3A_112 = arith.select %or3A_94, %get3A_25, %get3A_85 : vector<16xi1>, vector<16xi32>
        %swap3A_113 = arith.index_cast %mul3A_79 : i32 to index
        %swap3A_114 = tpu.vector_load %arg15[%swap3A_113] {strides = array<i32>} : memref<8192xi32, #tpu.memory_space<vmem>>, vector<16xi32>,
        %swap3A_115 = vector.shape_cast %swap3A_114 : vector<16xi32> to vector<16xi32>
        %swap3A_116 = vector.shape_cast %select_n3A_112 : vector<16xi32> to vector<16xi32>
        tpu.vector_store %arg15[%swap3A_113], %swap3A_116 {strides = array<i32>} : memref<8192xi32, #tpu.memory_space<vmem>>, vector<16xi32>,
        %scan3A_117 = arith.constant 2 : i32
        %scan3A_118 = arith.addi %scan3A_41, %scan3A_117 : i32
        %mul3A_119 = arith.constant 16 : i32
        %mul3A_120 = arith.muli %scan3A_118, %mul3A_119 : i32
        %get3A_121 = arith.index_cast %mul3A_120 : i32 to index
        %get3A_122 = tpu.vector_load %arg10[%get3A_121] {strides = array<i32>} : memref<8192xi32, #tpu.memory_space<vmem>>, vector<16xi32>,
        %get3A_123 = vector.shape_cast %get3A_122 : vector<16xi32> to vector<16xi32>
        %get3A_124 = arith.index_cast %mul3A_120 : i32 to index
        %get3A_125 = tpu.vector_load %arg12[%get3A_124] {strides = array<i32>} : memref<8192xi32, #tpu.memory_space<vmem>>, vector<16xi32>,
        %get3A_126 = vector.shape_cast %get3A_125 : vector<16xi32> to vector<16xi32>
        %eq3A_127 = arith.cmpi eq, %get3A_123, %get3A_4 : vector<16xi32>
        %eq3A_128 = arith.cmpi eq, %get3A_123, %get3A_7 : vector<16xi32>
        %or3A_129 = arith.ori %eq3A_127, %eq3A_128 : vector<16xi1>
        %eq3A_130 = arith.cmpi eq, %get3A_123, %get3A_10 : vector<16xi32>
        %or3A_131 = arith.ori %or3A_129, %eq3A_130 : vector<16xi1>
        %eq3A_132 = arith.cmpi eq, %get3A_123, %get3A_13 : vector<16xi32>
        %or3A_133 = arith.ori %or3A_131, %eq3A_132 : vector<16xi1>
        %eq3A_134 = arith.cmpi eq, %get3A_123, %get3A_16 : vector<16xi32>
        %or3A_135 = arith.ori %or3A_133, %eq3A_134 : vector<16xi1>
        %gt3A_136 = arith.cmpi sgt, %get3A_126, %get3A_22 : vector<16xi32>
        %or3A_137 = arith.ori %or3A_135, %gt3A_136 : vector<16xi1>
        %get3A_138 = arith.index_cast %mul3A_120 : i32 to index
        %get3A_139 = tpu.vector_load %arg11[%get3A_138] {strides = array<i32>} : memref<8192xi32, #tpu.memory_space<vmem>>, vector<16xi32>,
        %get3A_140 = vector.shape_cast %get3A_139 : vector<16xi32> to vector<16xi32>
        %select_n3A_141 = arith.select %or3A_137, %get3A_123, %get3A_140 : vector<16xi1>, vector<16xi32>
        %eq3A_142 = arith.cmpi eq, %get3A_126, %get3A_25 : vector<16xi32>
        %or3A_143 = arith.ori %or3A_135, %eq3A_142 : vector<16xi1>
        %select_n3A_144 = arith.select %or3A_143, %get3A_19, %get3A_123 : vector<16xi1>, vector<16xi32>
        %swap3A_145 = arith.index_cast %mul3A_120 : i32 to index
        %swap3A_146 = tpu.vector_load %arg13[%swap3A_145] {strides = array<i32>} : memref<8192xi32, #tpu.memory_space<vmem>>, vector<16xi32>,
        %swap3A_147 = vector.shape_cast %swap3A_146 : vector<16xi32> to vector<16xi32>
        %swap3A_148 = vector.shape_cast %select_n3A_141 : vector<16xi32> to vector<16xi32>
        tpu.vector_store %arg13[%swap3A_145], %swap3A_148 {strides = array<i32>} : memref<8192xi32, #tpu.memory_space<vmem>>, vector<16xi32>,
        %swap3A_149 = arith.index_cast %mul3A_120 : i32 to index
        %swap3A_150 = tpu.vector_load %arg14[%swap3A_149] {strides = array<i32>} : memref<8192xi32, #tpu.memory_space<vmem>>, vector<16xi32>,
        %swap3A_151 = vector.shape_cast %swap3A_150 : vector<16xi32> to vector<16xi32>
        %swap3A_152 = vector.shape_cast %select_n3A_144 : vector<16xi32> to vector<16xi32>
        tpu.vector_store %arg14[%swap3A_149], %swap3A_152 {strides = array<i32>} : memref<8192xi32, #tpu.memory_space<vmem>>, vector<16xi32>,
        %select_n3A_153 = arith.select %or3A_135, %get3A_25, %get3A_126 : vector<16xi1>, vector<16xi32>
        %swap3A_154 = arith.index_cast %mul3A_120 : i32 to index
        %swap3A_155 = tpu.vector_load %arg15[%swap3A_154] {strides = array<i32>} : memref<8192xi32, #tpu.memory_space<vmem>>, vector<16xi32>,
        %swap3A_156 = vector.shape_cast %swap3A_155 : vector<16xi32> to vector<16xi32>
        %swap3A_157 = vector.shape_cast %select_n3A_153 : vector<16xi32> to vector<16xi32>
        tpu.vector_store %arg15[%swap3A_154], %swap3A_157 {strides = array<i32>} : memref<8192xi32, #tpu.memory_space<vmem>>, vector<16xi32>,
        %scan3A_158 = arith.constant 3 : i32
        %scan3A_159 = arith.addi %scan3A_41, %scan3A_158 : i32
        %mul3A_160 = arith.constant 16 : i32
        %mul3A_161 = arith.muli %scan3A_159, %mul3A_160 : i32
        %get3A_162 = arith.index_cast %mul3A_161 : i32 to index
        %get3A_163 = tpu.vector_load %arg10[%get3A_162] {strides = array<i32>} : memref<8192xi32, #tpu.memory_space<vmem>>, vector<16xi32>,
        %get3A_164 = vector.shape_cast %get3A_163 : vector<16xi32> to vector<16xi32>
        %get3A_165 = arith.index_cast %mul3A_161 : i32 to index
        %get3A_166 = tpu.vector_load %arg12[%get3A_165] {strides = array<i32>} : memref<8192xi32, #tpu.memory_space<vmem>>, vector<16xi32>,
        %get3A_167 = vector.shape_cast %get3A_166 : vector<16xi32> to vector<16xi32>
        %eq3A_168 = arith.cmpi eq, %get3A_164, %get3A_4 : vector<16xi32>
        %eq3A_169 = arith.cmpi eq, %get3A_164, %get3A_7 : vector<16xi32>
        %or3A_170 = arith.ori %eq3A_168, %eq3A_169 : vector<16xi1>
        %eq3A_171 = arith.cmpi eq, %get3A_164, %get3A_10 : vector<16xi32>
        %or3A_172 = arith.ori %or3A_170, %eq3A_171 : vector<16xi1>
        %eq3A_173 = arith.cmpi eq, %get3A_164, %get3A_13 : vector<16xi32>
        %or3A_174 = arith.ori %or3A_172, %eq3A_173 : vector<16xi1>
        %eq3A_175 = arith.cmpi eq, %get3A_164, %get3A_16 : vector<16xi32>
        %or3A_176 = arith.ori %or3A_174, %eq3A_175 : vector<16xi1>
        %gt3A_177 = arith.cmpi sgt, %get3A_167, %get3A_22 : vector<16xi32>
        %or3A_178 = arith.ori %or3A_176, %gt3A_177 : vector<16xi1>
        %get3A_179 = arith.index_cast %mul3A_161 : i32 to index
        %get3A_180 = tpu.vector_load %arg11[%get3A_179] {strides = array<i32>} : memref<8192xi32, #tpu.memory_space<vmem>>, vector<16xi32>,
        %get3A_181 = vector.shape_cast %get3A_180 : vector<16xi32> to vector<16xi32>
        %select_n3A_182 = arith.select %or3A_178, %get3A_164, %get3A_181 : vector<16xi1>, vector<16xi32>
        %eq3A_183 = arith.cmpi eq, %get3A_167, %get3A_25 : vector<16xi32>
        %or3A_184 = arith.ori %or3A_176, %eq3A_183 : vector<16xi1>
        %select_n3A_185 = arith.select %or3A_184, %get3A_19, %get3A_164 : vector<16xi1>, vector<16xi32>
        %swap3A_186 = arith.index_cast %mul3A_161 : i32 to index
        %swap3A_187 = tpu.vector_load %arg13[%swap3A_186] {strides = array<i32>} : memref<8192xi32, #tpu.memory_space<vmem>>, vector<16xi32>,
        %swap3A_188 = vector.shape_cast %swap3A_187 : vector<16xi32> to vector<16xi32>
        %swap3A_189 = vector.shape_cast %select_n3A_182 : vector<16xi32> to vector<16xi32>
        tpu.vector_store %arg13[%swap3A_186], %swap3A_189 {strides = array<i32>} : memref<8192xi32, #tpu.memory_space<vmem>>, vector<16xi32>,
        %swap3A_190 = arith.index_cast %mul3A_161 : i32 to index
        %swap3A_191 = tpu.vector_load %arg14[%swap3A_190] {strides = array<i32>} : memref<8192xi32, #tpu.memory_space<vmem>>, vector<16xi32>,
        %swap3A_192 = vector.shape_cast %swap3A_191 : vector<16xi32> to vector<16xi32>
        %swap3A_193 = vector.shape_cast %select_n3A_185 : vector<16xi32> to vector<16xi32>
        tpu.vector_store %arg14[%swap3A_190], %swap3A_193 {strides = array<i32>} : memref<8192xi32, #tpu.memory_space<vmem>>, vector<16xi32>,
        %select_n3A_194 = arith.select %or3A_176, %get3A_25, %get3A_167 : vector<16xi1>, vector<16xi32>
        %swap3A_195 = arith.index_cast %mul3A_161 : i32 to index
        %swap3A_196 = tpu.vector_load %arg15[%swap3A_195] {strides = array<i32>} : memref<8192xi32, #tpu.memory_space<vmem>>, vector<16xi32>,
        %swap3A_197 = vector.shape_cast %swap3A_196 : vector<16xi32> to vector<16xi32>
        %swap3A_198 = vector.shape_cast %select_n3A_194 : vector<16xi32> to vector<16xi32>
        tpu.vector_store %arg15[%swap3A_195], %swap3A_198 {strides = array<i32>} : memref<8192xi32, #tpu.memory_space<vmem>>, vector<16xi32>,
      }
      %scan3A_40 = arith.constant 512 : i32
      "tpu.region"() ({
        %run_scoped3A = tpu.sem_alloc : memref<!tpu.dma_semaphore, #tpu.memory_space<semaphore_mem>>
        %dma_start3A = tpu.memref_slice %arg6[%add3A_34] : memref<1048576xi32, #tpu.memory_space<hbm>> -> memref<8192xi32, #tpu.memory_space<hbm>>
        %dma_start3A_41 = tpu.memref_slice %arg6[%add3A_34] : memref<1048576xi32, #tpu.memory_space<hbm>> -> memref<8192xi32, #tpu.memory_space<hbm>>
        tpu.enqueue_dma source(%arg13 : memref<8192xi32, #tpu.memory_space<vmem>>) target(%dma_start3A_41 : memref<8192xi32, #tpu.memory_space<hbm>>) target_semaphore(%run_scoped3A : memref<!tpu.dma_semaphore, #tpu.memory_space<semaphore_mem>>)
        %dma_wait3A = tpu.memref_slice %arg6[%add3A_34] : memref<1048576xi32, #tpu.memory_space<hbm>> -> memref<8192xi32, #tpu.memory_space<hbm>>
        %dma_wait3A_42 = tpu.memref_slice %arg6[%add3A_34] : memref<1048576xi32, #tpu.memory_space<hbm>> -> memref<8192xi32, #tpu.memory_space<hbm>>
        tpu.wait_dma2 semaphore(%run_scoped3A : memref<!tpu.dma_semaphore, #tpu.memory_space<semaphore_mem>>) src(%arg13 : memref<8192xi32, #tpu.memory_space<vmem>>) dst(%dma_wait3A_42 : memref<8192xi32, #tpu.memory_space<hbm>>)
        tpu.yield
      }) : () -> ()
      "tpu.region"() ({
        %run_scoped3A = tpu.sem_alloc : memref<!tpu.dma_semaphore, #tpu.memory_space<semaphore_mem>>
        %dma_start3A = tpu.memref_slice %arg7[%add3A_34] : memref<1048576xi32, #tpu.memory_space<hbm>> -> memref<8192xi32, #tpu.memory_space<hbm>>
        %dma_start3A_41 = tpu.memref_slice %arg7[%add3A_34] : memref<1048576xi32, #tpu.memory_space<hbm>> -> memref<8192xi32, #tpu.memory_space<hbm>>
        tpu.enqueue_dma source(%arg14 : memref<8192xi32, #tpu.memory_space<vmem>>) target(%dma_start3A_41 : memref<8192xi32, #tpu.memory_space<hbm>>) target_semaphore(%run_scoped3A : memref<!tpu.dma_semaphore, #tpu.memory_space<semaphore_mem>>)
        %dma_wait3A = tpu.memref_slice %arg7[%add3A_34] : memref<1048576xi32, #tpu.memory_space<hbm>> -> memref<8192xi32, #tpu.memory_space<hbm>>
        %dma_wait3A_42 = tpu.memref_slice %arg7[%add3A_34] : memref<1048576xi32, #tpu.memory_space<hbm>> -> memref<8192xi32, #tpu.memory_space<hbm>>
        tpu.wait_dma2 semaphore(%run_scoped3A : memref<!tpu.dma_semaphore, #tpu.memory_space<semaphore_mem>>) src(%arg14 : memref<8192xi32, #tpu.memory_space<vmem>>) dst(%dma_wait3A_42 : memref<8192xi32, #tpu.memory_space<hbm>>)
        tpu.yield
      }) : () -> ()
      "tpu.region"() ({
        %run_scoped3A = tpu.sem_alloc : memref<!tpu.dma_semaphore, #tpu.memory_space<semaphore_mem>>
        %dma_start3A = tpu.memref_slice %arg8[%add3A_34] : memref<1048576xi32, #tpu.memory_space<hbm>> -> memref<8192xi32, #tpu.memory_space<hbm>>
        %dma_start3A_41 = tpu.memref_slice %arg8[%add3A_34] : memref<1048576xi32, #tpu.memory_space<hbm>> -> memref<8192xi32, #tpu.memory_space<hbm>>
        tpu.enqueue_dma source(%arg15 : memref<8192xi32, #tpu.memory_space<vmem>>) target(%dma_start3A_41 : memref<8192xi32, #tpu.memory_space<hbm>>) target_semaphore(%run_scoped3A : memref<!tpu.dma_semaphore, #tpu.memory_space<semaphore_mem>>)
        %dma_wait3A = tpu.memref_slice %arg8[%add3A_34] : memref<1048576xi32, #tpu.memory_space<hbm>> -> memref<8192xi32, #tpu.memory_space<hbm>>
        %dma_wait3A_42 = tpu.memref_slice %arg8[%add3A_34] : memref<1048576xi32, #tpu.memory_space<hbm>> -> memref<8192xi32, #tpu.memory_space<hbm>>
        tpu.wait_dma2 semaphore(%run_scoped3A : memref<!tpu.dma_semaphore, #tpu.memory_space<semaphore_mem>>) src(%arg15 : memref<8192xi32, #tpu.memory_space<vmem>>) dst(%dma_wait3A_42 : memref<8192xi32, #tpu.memory_space<hbm>>)
        tpu.yield
      }) : () -> ()
    }
    %scan3A_30 = arith.constant 4 : i32
    return
  }
}

</mosaic_0001>

<sc_bundles>
// kernel: kernel.3.cloned.1.call-start
scs
__scs_entry_jumppad:
0x0: {  	(pc) =	sbr.rel $0x88, $3  }
0x1: {  	(tag) =	ssettag $0x0;
	lr =	simm.s32 $0x1  }
0x2: {  	[smem:$0x3F9F] =	sst lr;
	_ =	strace $0xD0000000  }
0x3: {  	_ = 	snop  }
0x4: {  	_ = 	snop  }
0x5: {  	_ = 	snop  }
0x6: {  	_ = 	snop  }
0x7: {  	_ = 	snop  }
__scs_overlays_trampoline_lowered:
0x8: {  	[smem:$0x3FAE] =	sst s0  }
0x9: {  	[smem:$0x3FAF] =	sst s1  }
0xa: {  	[smem:$0x3FB0] =	sst s2  }
0xb: {  	[smem:$0x3FB1] =	sst s3  }
0xc: {  	[smem:$0x3FB2] =	sst s4  }
0xd: {  	[smem:$0x3FB3] =	sst s5  }
0xe: {  	[smem:$0x3FB4] =	sst s6  }
0xf: {  	[smem:$0x3FB5] =	sst s7  }
0x10: {  	[smem:$0x3FB6] =	sst s8  }
0x11: {  	[smem:$0x3FB7] =	sst s9;
	s0 =	simm.s32 @!p0 $0x0  }
0x12: {  	s1 =	sld [smem:$0x3F9D];
	s0 =	simm.s32 @p0 $0x1  }
0x13: {  	[smem:$0x3FB8] =	sst s0;
	s0 =	simm.s32 @!p1 $0x0  }
0x14: {  	s2 =	sld [smem:$0x3F9C];
	s0 =	simm.s32 @p1 $0x1  }
0x15: {  	[smem:$0x3FB9] =	sst s0;
	s0 =	simm.s32 @!p2 $0x0  }
0x16: {  	s3 =	sld [smem:$0x3FDB];
	s0 =	simm.s32 @p2 $0x1  }
0x17: {  	s4 =	simm.s32 $0x1BF5;
	[smem:$0x3FBB] =	sst s0  }
0x18: {  	s0 =	sld [smem:$0x3F9E];
	_ =	swait.ge [sflag:s4], $0x0  }
0x19: {  	s7 =	sld [smem:$0x3F9F]  }
0x1a: {  	s8 =	sadd.s32 $0xFFFFE003, lr  }
0x1b: {  	s9 =	sadd.s32 $0xFFFFFEF7, lr;
	s5 =	simm.s32 $0xFFFFFFFF;
	p2 =	slt.u32 s8, $0xFFFFF086  }
0x1c: {  	p1 =	slt.u32 s9, $0xF7A;
	s5 =	simm.s32 @!p2 $0x0  }
0x1d: {  	s5 =	simm.s32 @p1 $0x1;
	p0 =	seq.s32 s7, s2  }
0x1e: {  	s7 =	smul.u32 @!p0 $0xF7A, s2;
	p2 =	seq.s32 @!p0 s5, $0x0  }
0x1f: {  	s9 =	smul.u32 $0xF7A, s1;
	s8 =	simm.s32 @!p0 $0x1BF5;
	p2 =	por !p2, p0  }
0x20: {  	[sflag:s8] =	ssyncset.s32 @!p0 $0xFFFFF086;
	s6 =	sadd.s32 @!p0 s3, s7;
	s7 =	simm.s32 @!p0 $0x108  }
0x21: {  	s3 =	sadd.s32 s3, s9;
	s6 =	sadd.s32 @!p0 $0x88, s6;
	s7 =	simm.s32 @p2 $0x1082  }
0x22: {  	[simem:s7], [sflag:s8] =	dma.local @!p0 [hbm:s6], $0xF7A  }
0x23: {  	s9 =	sor.u32 $0xD0000000, s2;
	s6 =	simm.s32 $0x108;
	_ =	swait.ge @!p0 [sflag:s8], $0x0  }
0x24: {  	s3 =	sadd.s32 $0x88, s3;
	s6 =	simm.s32 @!p1 $0x1082;
	[sflag:s4] =	ssyncset.s32 $0xFFFFF086  }
0x25: {  	[simem:s6], [sflag:s4] =	dma.local [hbm:s3], $0xF7A  }
0x26: {  	[smem:$0x3F9F] =	sst s1;
	(tag) =	ssettag s2;
	_ =	strace s9  }
0x27: {  	s1 =	sld [smem:$0x3FAF]  }
0x28: {  	s2 =	sld [smem:$0x3FB0]  }
0x29: {  	s4 =	sld [smem:$0x3FB2]  }
0x2a: {  	p0 =	seq.s32 s5, $0x0;
	s5 =	sld [smem:$0x3FB3]  }
0x2b: {  	s6 =	sld [smem:$0x3FB4]  }
0x2c: {  	s7 =	sld [smem:$0x3FB5]  }
0x2d: {  	s3 =	simm.s32 $0x108;
	s8 =	sld [smem:$0x3FB6]  }
0x2e: {  	s3 =	simm.s32 @!p0 $0x1082;
	s9 =	sld [smem:$0x3FB7]  }
0x2f: {  	lr =	sadd.s32 s0, s3;
	s0 =	sld [smem:$0x3FAE]  }
0x30: {  	s3 =	sld [smem:$0x3FB1]  }
0x31: {  	[smem:$0x3FBA] =	sst s10  }
0x32: {  	s10 =	sld [smem:$0x3FB8];
	_ =	sdelay $0x3  }
0x33: {  	p0 =	seq.s32 s10, $0x1;
	s10 =	sld [smem:$0x3FBA];
	_ =	sdelay $0x3  }
0x34: {  	[smem:$0x3FBA] =	sst s10  }
0x35: {  	s10 =	sld [smem:$0x3FB9];
	_ =	sdelay $0x3  }
0x36: {  	p1 =	seq.s32 s10, $0x1;
	s10 =	sld [smem:$0x3FBA];
	_ =	sdelay $0x3  }
0x37: {  	[smem:$0x3FBA] =	sst s10  }
0x38: {  	s10 =	sld [smem:$0x3FBB]  }
0x39: {  	_ = 	snop;
	(pc) =	sbr.ind lr, $3  }
0x3a: {  	_ = 	snop  }
0x3b: {  	_ = 	snop  }
0x3c: {  	p2 =	seq.s32 s10, $0x1;
	s10 =	sld [smem:$0x3FBA]  }
0x3d: {  	_ =	shalt  }
0x3e: {  	_ =	shalt  }
0x3f: {  	_ =	shalt  }
0x40: {  	_ =	shalt  }
0x41: {  	_ =	shalt  }
0x42: {  	_ =	shalt  }
0x43: {  	_ =	shalt  }
0x44: {  	_ =	shalt  }
0x45: {  	_ =	shalt  }
0x46: {  	_ =	shalt  }
0x47: {  	_ =	shalt  }
0x48: {  	_ =	shalt  }
0x49: {  	_ =	shalt  }
0x4a: {  	_ =	shalt  }
0x4b: {  	_ =	shalt  }
0x4c: {  	_ =	shalt  }
0x4d: {  	_ =	shalt  }
0x4e: {  	_ =	shalt  }
0x4f: {  	_ =	shalt  }
0x50: {  	_ =	shalt  }
0x51: {  	_ =	shalt  }
0x52: {  	_ =	shalt  }
0x53: {  	_ =	shalt  }
0x54: {  	_ =	shalt  }
0x55: {  	_ =	shalt  }
0x56: {  	_ =	shalt  }
0x57: {  	_ =	shalt  }
0x58: {  	_ =	shalt  }
0x59: {  	_ =	shalt  }
0x5a: {  	_ =	shalt  }
0x5b: {  	_ =	shalt  }
0x5c: {  	_ =	shalt  }
0x5d: {  	_ =	shalt  }
0x5e: {  	_ =	shalt  }
0x5f: {  	_ =	shalt  }
0x60: {  	_ =	shalt  }
0x61: {  	_ =	shalt  }
0x62: {  	_ =	shalt  }
0x63: {  	_ =	shalt  }
0x64: {  	_ =	shalt  }
0x65: {  	_ =	shalt  }
0x66: {  	_ =	shalt  }
0x67: {  	_ =	shalt  }
0x68: {  	_ =	shalt  }
0x69: {  	_ =	shalt  }
0x6a: {  	_ =	shalt  }
0x6b: {  	_ =	shalt  }
0x6c: {  	_ =	shalt  }
0x6d: {  	_ =	shalt  }
0x6e: {  	_ =	shalt  }
0x6f: {  	_ =	shalt  }
0x70: {  	_ =	shalt  }
0x71: {  	_ =	shalt  }
0x72: {  	_ =	shalt  }
0x73: {  	_ =	shalt  }
0x74: {  	_ =	shalt  }
0x75: {  	_ =	shalt  }
0x76: {  	_ =	shalt  }
0x77: {  	_ =	shalt  }
0x78: {  	_ =	shalt  }
0x79: {  	_ =	shalt  }
0x7a: {  	_ =	shalt  }
0x7b: {  	_ =	shalt  }
0x7c: {  	_ =	shalt  }
0x7d: {  	_ =	shalt  }
0x7e: {  	_ =	shalt  }
0x7f: {  	_ =	shalt  }
0x80: {  	_ =	shalt  }
0x81: {  	_ =	shalt  }
0x82: {  	_ =	shalt  }
0x83: {  	_ =	shalt  }
0x84: {  	_ =	shalt  }
0x85: {  	_ =	shalt  }
0x86: {  	_ =	shalt  }
0x87: {  	_ =	shalt  }
.Lfunc_end0:
.L_simem_size_0:
called_computation_lowered:
.L_overlay_start_0:
0x88: {  	s2 =	sld [smem:$0x3FD9]  }
0x89: {  	s3 =	sld [smem:$0x3FFE];
	_ =	sdelay $0x1  }
0x8a: {  	s1 =	srdreg.scid  }
0x8b: {  	s0 =	sand.u32 $0x1, s1  }
0x8c: {  	s14 =	sshll.u32 s0, $0xA;
	s2 =	sadd.s32 s3, s2  }
0x8d: {  	s2 =	sadd.s32 s2, s14  }
0x8e: {  	[smem:$0x3FC6] =	sst s2  }
0x8f: {  	_ = 	snop  }
0x90: {  	s2 =	sld [smem:$0x3FD0];
	_ =	sdelay $0x2  }
0x91: {  	s15 =	simm.s32 $0xA;
	s4 =	simm.s32 $0x10  }
0x92: {  	[smem:s4], [sflag:s15] =	dma.local [hbm:s2], $0x1  }
0x93: {  	_ =	swait.eq [sflag:s15], $0x1  }
0x94: {  	s16 =	sld [smem:$0x10];
	[sflag:s15] =	ssyncset.done $0x0  }
0x95: {  	s17 =	sld [smem:$0x11];
	[sflag:s15] =	ssyncadd.s32 $0xFFFFFFFF  }
0x96: {  	s18 =	sld [smem:$0x12];
	(tm) =	ssettm $0x1  }
0x97: {  	s5 =	sld [smem:$0x3FFB];
	_ =	sdelay $0x3  }
0x98: {  	_ =	strace s5  }
0x99: {  	s5 =	sld [smem:$0x3FFC];
	_ =	sdelay $0x3  }
0x9a: {  	_ =	strace s5  }
0x9b: {  	s5 =	sld [smem:$0x3FFD];
	_ =	sdelay $0x3  }
0x9c: {  	_ =	strace s5  }
0x9d: {  	_ =	strace $0x8FFFFFFF  }
0x9e: {  	s19 =	sld [smem:$0x3FDB];
	_ =	sdelay $0x1  }
0x9f: {  	s6 =	simm.s32 $_scs_section_size  }
0xa0: {  	s7 =	simm.s32 $_size__tile_overlayer_lowered;
	s8 =	simm.s32 $_tile_overlayer_lowered  }
0xa1: {  	s22 =	simm.s32 $0x1BFF;
	s21 =	sshll.u32 s8, $0x1;
	s5 =	sadd.s32 s6, s19  }
0xa2: {  	s9 =	simm.s32 $0x0;
	s20 =	sshll.u32 s7, $0x1;
	s7 =	sadd.s32 s21, s5  }
0xa3: {  	[timem:s9], [sflag:s22] =	dma.local [hbm:s7], s20  }
0xa4: {  	_ =	swait.ge [sflag:s22], s20  }
0xa5: {  	s6 =	ssub.s32 $0x0, s20;
	[sflag:s22] =	ssyncset.done $0x0  }
0xa6: {  	[sflag:s22] =	ssyncadd.s32 s6;
	_ =	sdelay $0x1  }
0xa7: {  	s23 =	simm.s32 $0x1B8B  }
0xa8: {  	_ =	swait.ge [sflag:s23], $0x1  }
0xa9: {  	[sflag:s23] =	ssyncset.done $0x0  }
0xaa: {  	s25 =	simm.s32 $0x1B8E;
	s24 =	sld [smem:$0x3FFE];
	[sflag:s23] =	ssyncadd.s32 $0xFFFFFFFF  }
0xab: {  	s26 =	simm.s32 $execute0_lowered;
	[smem:$0x3FD2] =	sst s25  }
0xac: {  	s7 =	sshll.u32 s26, $0x1;
	_ =	strace $0x80000046;
	[dreg:$0x1] =	wrdreg $0xFFFFFFFF  }
0xad: {  	s28 =	simm.s32 $_size_execute0_lowered;
	s5 =	sadd.s32 s5, s7;
	[dreg:$0x0] =	wrdreg $0x0  }
0xae: {  	s7 =	sshll.u32 s28, $0x1;
	[dreg:$0x2] =	wrdreg s5  }
0xaf: {  	[dreg:$0x3] =	wrdreg s7  }
0xb0: {  	[dreg:$0x4] =	wrdreg $0xC0  }
0xb1: {  	_ =	task [dreg:s9], $0x5FFFF  }
0xb2: {  	[dreg:$0x1] =	wrdreg $0xFFFFFFFF  }
0xb3: {  	[dreg:$0x0] =	wrdreg $0x60  }
0xb4: {  	[dreg:$0x2] =	wrdreg s18  }
0xb5: {  	[dreg:$0x3] =	wrdreg s17  }
0xb6: {  	[dreg:$0x4] =	wrdreg s16  }
0xb7: {  	[dreg:$0x5] =	wrdreg s24  }
0xb8: {  	[dreg:$0x6] =	wrdreg $0x9  }
0xb9: {  	_ =	task.clear_ibuf [dreg:s9], $0x7FFFF;
	_ =	strace $0x90000046  }
0xba: {  	s29 =	simm.s32 $0x9;
	_ =	strace $0x80000048  }
0xbb: {  	_ =	swait.ge [sflag:s29], $0x1  }
0xbc: {  	[sflag:s29] =	ssyncadd.s32 $0xFFFFFFFF  }
0xbd: {  	_ =	strace $0x90000048  }
0xbe: {  	_ =	sfence  }
0xbf: {  	s30 =	sld [smem:$0x0];
	_ =	sdelay $0x2  }
0xc0: {  	s31 =	sshll.u32 s1, $0xD;
	s1 =	sshrl.u32 s1, $0x2  }
0xc1: {  	s3 =	sand.u32 $0x4000, s31;
	s1 =	sadd.s32 s1, s30  }
0xc2: {  	s0 =	sor.u32 s3, s0;
	s1 =	sshll.u32 s1, $0x11  }
0xc3: {  	s0 =	sor.u32 s1, s0  }
0xc4: {  	s0 =	sadd.s32 $0x8F2B, s0  }
0xc5: {  	[sflag:s0] =	ssyncadd.remote.s32 $0x1  }
0xc6: {  	_ =	sfence.sel $0xFFFF  }
0xc7: {  	[dreg:$0x0] =	wrdreg $0xFFFFFFFF;
	(pc) =	sbr.abs _section_cstart, $3  }
0xc8: {  	[dreg:$0x1] =	wrdreg $0xFFFFFFFF  }
0xc9: {  	_ =	task.clear_ibuf [dreg:s9], $0x2FFFF;
	_ =	strace $0x9FFFFFFF  }
0xca: {  	(tm) =	ssettm $0x7FFFFFFF  }
0xcb: {  	_ =	shalt  }
tec
execute0_lowered:
.L_overlay_start_1:
0x0: {  	(tag) =	ssettag $0x1  }
0x1: {  	s1 =	rddreg [dreg:$0x0]  }
0x2: {  	s2 =	rddreg [dreg:$0x1]  }
0x3: {  	s3 =	rddreg [dreg:$0x2]  }
0x4: {  	s9 =	rddreg [dreg:$0x3]  }
0x5: {  	s0 =	rddreg [dreg:$0x4];
	s4 =	simm.s32 $0x0  }
0x6: {  	s5 =	srdreg.scid;
	s14 =	simm.s32 $0x2080;
	s15 =	simm.s32 $0x4080  }
0x7: {  	s16 =	simm.s32 $0x6080;
	s17 =	simm.s32 $0x8080;
	s18 =	simm.s32 $0xA080  }
0x8: {  	s19 =	simm.s32 $0x0;
	[smem:$0x7FF] =	sst s4;
	s6 =	sadd.s32 $0x1E00, s9  }
0x9: {  	s7 =	sadd.s32 $0x22000, s9;
	s10 =	sand.u32 $0x1, s5;
	s8 =	sadd.s32 $0x42000, s9  }
0xa: {  	s5 =	stileid.u32;
	s9 =	sadd.s32 $0x2000, s9;
	s11 =	ssub.s32 $0x2, s10  }
0xb: {  	s13 =	sshll.u32 s5, $0xD;
	s10 =	sshll.u32 s10, $0xC;
	s12 =	sshrl.u32 s11, $0x1  }
0xc: {  	_ =	strace $0x80000047;
	s10 =	sor.u32 s10, s13;
	s11 =	ssub.s32 s11, s12  }
0xd: {  	s13 =	simm.s32 $0x80;
	s12 =	simm.s32 $0x1;
	s11 =	smax.u32 s11, $0x1  }
.LBB2_1:
0xe: {  	[tilespmem:s4], [sflag:$0x1] =	stream.linear.gather [hbm4b:s6+s4], $0x80, $0x38;
	[tilespmem:$0xC080] =	vst v63  }
0xf: {  	_ =	swait.ge [sflag:s12], $0x80  }
0x10: {  	[sflag:s12] =	ssyncset.done $0x0  }
0x11: {  	[sflag:s12] =	ssyncadd.s32 $0xFFFFFF80  }
0x12: {  	v0 =	vld [tilespmem:$0x0]  }
0x13: {  	v1 =	vld [tilespmem:$0x10]  }
0x14: {  	v2 =	vld [tilespmem:$0x20]  }
0x15: {  	v3 =	vld [tilespmem:$0x30]  }
0x16: {  	v4 =	vld [tilespmem:$0x40]  }
0x17: {  	v5 =	vld [tilespmem:$0x50]  }
0x18: {  	v6 =	vld [tilespmem:$0x60]  }
0x19: {  	s20 =	simm.s32 $0x0;
	v7 =	vld [tilespmem:$0x70]  }
.LBB2_2:
0x1a: {  	s21 =	sshll.u32 s20, $0xA  }
0x1b: {  	s21 =	sadd.s32 s10, s21  }
0x1c: {  	s22 =	sadd.s32 s1, s21  }
0x1d: {  	[tilespmem:s13], [sflag:$0x1] =	stream.linear.gather [hbm4b:s22+s4], $0x2000, $0x38;
	[tilespmem:$0xC080] =	vst v63  }
0x1e: {  	_ =	swait.ge [sflag:s12], $0x2000  }
0x1f: {  	[sflag:s12] =	ssyncset.done $0x0  }
0x20: {  	s30 =	sadd.s32 s2, s21;
	[sflag:s12] =	ssyncadd.s32 $0xFFFFE000  }
0x21: {  	[tilespmem:s14], [sflag:$0x1] =	stream.linear.gather [hbm4b:s30+s4], $0x2000, $0x38;
	[tilespmem:$0xC080] =	vst v63  }
0x22: {  	_ =	swait.ge [sflag:s12], $0x2000  }
0x23: {  	[sflag:s12] =	ssyncset.done $0x0  }
0x24: {  	s31 =	sadd.s32 s3, s21;
	[sflag:s12] =	ssyncadd.s32 $0xFFFFE000  }
0x25: {  	[tilespmem:s15], [sflag:$0x1] =	stream.linear.gather [hbm4b:s31+s4], $0x2000, $0x38;
	[tilespmem:$0xC080] =	vst v63  }
0x26: {  	_ =	swait.ge [sflag:s12], $0x2000  }
0x27: {  	[sflag:s12] =	ssyncset.done $0x0  }
0x28: {  	s24 =	simm.s32 $0xA0;
	[sflag:s12] =	ssyncadd.s32 $0xFFFFE000  }
0x29: {  	v8 =	vld [tilespmem:s24+$0xFFFFFFE0];
	_ =	sdelay $0x2  }
0x2a: {  	s28 =	simm.s32 $0x40A0  }
0x2b: {  	v9 =	vld [tilespmem:s28+$0xFFFFFFE0]  }
0x2c: {  	s26 =	simm.s32 $0x20A0;
	vm0 =	veq.s32 v8, v0;
	vm1 =	veq.s32 v8, v1  }
0x2d: {  	v10 =	vld [tilespmem:s26+$0xFFFFFFE0];
	vm15 =	veq.s32 v8, v2;
	vm0 =	vmor vm0, vm1  }
0x2e: {  	vm4 =	veq.s32 v8, v3;
	vm0 =	vmor vm15, vm0  }
0x2f: {  	vm5 =	veq.s32 v8, v4;
	vm0 =	vmor vm4, vm0  }
0x30: {  	vm6 =	vgt.s32 v9, v6;
	vm0 =	vmor vm5, vm0  }
0x31: {  	vm2 =	veq.s32 v9, v7;
	vm1 =	vmor vm6, vm0  }
0x32: {  	s25 =	simm.s32 $0x60A0;
	vm2 =	vmor vm2, vm0;
	v10 =	vsel vm1, v8, v10  }
0x33: {  	s22 =	simm.s32 $0x80A0;
	v8 =	vsel vm2, v5, v8;
	[tilespmem:s25+$0xFFFFFFE0] =	vst v10  }
0x34: {  	s23 =	simm.s32 $0xA0A0;
	[tilespmem:s22+$0xFFFFFFE0] =	vst v8;
	v8 =	vsel vm0, v7, v9  }
0x35: {  	[tilespmem:s23+$0xFFFFFFE0] =	vst v8  }
0x36: {  	v8 =	vld [tilespmem:s24+$0xFFFFFFF0];
	_ =	sdelay $0x3  }
0x37: {  	v9 =	vld [tilespmem:s28+$0xFFFFFFF0]  }
0x38: {  	vm7 =	veq.s32 v8, v0;
	vm8 =	veq.s32 v8, v1  }
0x39: {  	v10 =	vld [tilespmem:s26+$0xFFFFFFF0];
	vm9 =	veq.s32 v8, v2;
	vm0 =	vmor vm7, vm8  }
0x3a: {  	vm10 =	veq.s32 v8, v3;
	vm0 =	vmor vm9, vm0  }
0x3b: {  	vm11 =	veq.s32 v8, v4;
	vm0 =	vmor vm10, vm0  }
0x3c: {  	vm12 =	vgt.s32 v9, v6;
	vm0 =	vmor vm11, vm0  }
0x3d: {  	vm13 =	veq.s32 v9, v7;
	vm1 =	vmor vm12, vm0  }
0x3e: {  	vm2 =	vmor vm13, vm0;
	v10 =	vsel vm1, v8, v10  }
0x3f: {  	v8 =	vsel vm2, v5, v8;
	[tilespmem:s25+$0xFFFFFFF0] =	vst v10  }
0x40: {  	[tilespmem:s22+$0xFFFFFFF0] =	vst v8;
	v8 =	vsel vm0, v7, v9  }
0x41: {  	[tilespmem:s23+$0xFFFFFFF0] =	vst v8  }
0x42: {  	v8 =	vld [tilespmem:s24+$0x0];
	_ =	sdelay $0x3  }
0x43: {  	v9 =	vld [tilespmem:s28+$0x0]  }
0x44: {  	vm14 =	veq.s32 v8, v0;
	vm15 =	veq.s32 v8, v1  }
0x45: {  	v10 =	vld [tilespmem:s26+$0x0];
	vm4 =	veq.s32 v8, v2;
	vm0 =	vmor vm14, vm15  }
0x46: {  	vm5 =	veq.s32 v8, v3;
	vm0 =	vmor vm4, vm0  }
0x47: {  	vm6 =	veq.s32 v8, v4;
	vm0 =	vmor vm5, vm0  }
0x48: {  	vm7 =	vgt.s32 v9, v6;
	vm0 =	vmor vm6, vm0  }
0x49: {  	vm8 =	veq.s32 v9, v7;
	vm1 =	vmor vm7, vm0  }
0x4a: {  	vm2 =	vmor vm8, vm0;
	v10 =	vsel vm1, v8, v10  }
0x4b: {  	v8 =	vsel vm2, v5, v8;
	[tilespmem:s25+$0x0] =	vst v10  }
0x4c: {  	[tilespmem:s22+$0x0] =	vst v8;
	v8 =	vsel vm0, v7, v9  }
0x4d: {  	[tilespmem:s23+$0x0] =	vst v8  }
0x4e: {  	v8 =	vld [tilespmem:s24+$0x10];
	_ =	sdelay $0x3  }
0x4f: {  	v9 =	vld [tilespmem:s28+$0x10]  }
0x50: {  	vm9 =	veq.s32 v8, v0;
	vm10 =	veq.s32 v8, v1  }
0x51: {  	v10 =	vld [tilespmem:s26+$0x10];
	vm11 =	veq.s32 v8, v2;
	vm0 =	vmor vm9, vm10  }
0x52: {  	vm12 =	veq.s32 v8, v3;
	vm0 =	vmor vm11, vm0  }
0x53: {  	vm13 =	veq.s32 v8, v4;
	vm0 =	vmor vm12, vm0  }
0x54: {  	vm14 =	vgt.s32 v9, v6;
	vm0 =	vmor vm13, vm0  }
0x55: {  	vm15 =	veq.s32 v9, v7;
	vm1 =	vmor vm14, vm0  }
0x56: {  	vm2 =	vmor vm15, vm0;
	v10 =	vsel vm1, v8, v10  }
0x57: {  	s29 =	simm.s32 $0x40E0;
	s24 =	simm.s32 $0x0;
	v8 =	vsel vm2, v5, v8;
	[tilespmem:s25+$0x10] =	vst v10  }
0x58: {  	s26 =	simm.s32 $0x60E0;
	s28 =	simm.s32 $0x20E0;
	s25 =	simm.s32 $0xE0;
	[tilespmem:s22+$0x10] =	vst v8;
	v8 =	vsel vm0, v7, v9  }
.LBB2_3:
0x59: {  	s24 =	sadd.s32 $0x4, s24;
	[tilespmem:s23+$0x10] =	vst v8;
	s23 =	sadd.s32 $0x40, s23;
	s22 =	sadd.s32 $0x40, s22  }
0x5a: {  	v8 =	vld [tilespmem:s25+$0xFFFFFFE0];
	p0 =	slt.u32 s24, $0x1FC;
	_ =	sdelay $0x3  }
0x5b: {  	v9 =	vld [tilespmem:s29+$0xFFFFFFE0]  }
0x5c: {  	vm0 =	veq.s32 v8, v0;
	vm1 =	veq.s32 v8, v1  }
0x5d: {  	vm0 =	vmor vm0, vm1;
	vm1 =	veq.s32 v8, v2;
	v10 =	vld [tilespmem:s28+$0xFFFFFFE0]  }
0x5e: {  	vm0 =	vmor vm1, vm0;
	vm1 =	veq.s32 v8, v3  }
0x5f: {  	vm0 =	vmor vm1, vm0;
	vm1 =	veq.s32 v8, v4  }
0x60: {  	vm0 =	vmor vm1, vm0;
	vm1 =	vgt.s32 v9, v6;
	vm2 =	veq.s32 v9, v7  }
0x61: {  	vm1 =	vmor vm1, vm0;
	vm2 =	vmor vm2, vm0  }
0x62: {  	v10 =	vsel vm1, v8, v10;
	v8 =	vsel vm2, v5, v8  }
0x63: {  	[tilespmem:s26+$0xFFFFFFE0] =	vst v10  }
0x64: {  	[tilespmem:s22+$0xFFFFFFE0] =	vst v8;
	v8 =	vsel vm0, v7, v9  }
0x65: {  	[tilespmem:s23+$0xFFFFFFE0] =	vst v8  }
0x66: {  	v8 =	vld [tilespmem:s25+$0xFFFFFFF0];
	_ =	sdelay $0x3  }
0x67: {  	v9 =	vld [tilespmem:s29+$0xFFFFFFF0]  }
0x68: {  	vm0 =	veq.s32 v8, v0;
	vm1 =	veq.s32 v8, v1  }
0x69: {  	vm0 =	vmor vm0, vm1;
	vm1 =	veq.s32 v8, v2;
	v10 =	vld [tilespmem:s28+$0xFFFFFFF0]  }
0x6a: {  	vm0 =	vmor vm1, vm0;
	vm1 =	veq.s32 v8, v3  }
0x6b: {  	vm0 =	vmor vm1, vm0;
	vm1 =	veq.s32 v8, v4  }
0x6c: {  	vm0 =	vmor vm1, vm0;
	vm1 =	vgt.s32 v9, v6;
	vm2 =	veq.s32 v9, v7  }
0x6d: {  	vm1 =	vmor vm1, vm0;
	vm2 =	vmor vm2, vm0  }
0x6e: {  	v10 =	vsel vm1, v8, v10;
	v8 =	vsel vm2, v5, v8  }
0x6f: {  	[tilespmem:s26+$0xFFFFFFF0] =	vst v10  }
0x70: {  	[tilespmem:s22+$0xFFFFFFF0] =	vst v8;
	v8 =	vsel vm0, v7, v9  }
0x71: {  	[tilespmem:s23+$0xFFFFFFF0] =	vst v8  }
0x72: {  	v8 =	vld [tilespmem:s25+$0x0];
	_ =	sdelay $0x3  }
0x73: {  	v9 =	vld [tilespmem:s29+$0x0]  }
0x74: {  	vm0 =	veq.s32 v8, v0;
	vm1 =	veq.s32 v8, v1  }
0x75: {  	vm0 =	vmor vm0, vm1;
	vm1 =	veq.s32 v8, v2;
	v10 =	vld [tilespmem:s28+$0x0]  }
0x76: {  	vm0 =	vmor vm1, vm0;
	vm1 =	veq.s32 v8, v3  }
0x77: {  	vm0 =	vmor vm1, vm0;
	vm1 =	veq.s32 v8, v4  }
0x78: {  	vm0 =	vmor vm1, vm0;
	vm1 =	vgt.s32 v9, v6;
	vm2 =	veq.s32 v9, v7  }
0x79: {  	vm1 =	vmor vm1, vm0;
	vm2 =	vmor vm2, vm0  }
0x7a: {  	v10 =	vsel vm1, v8, v10;
	v8 =	vsel vm2, v5, v8  }
0x7b: {  	[tilespmem:s26+$0x0] =	vst v10  }
0x7c: {  	[tilespmem:s22+$0x0] =	vst v8;
	v8 =	vsel vm0, v7, v9  }
0x7d: {  	[tilespmem:s23+$0x0] =	vst v8  }
0x7e: {  	v8 =	vld [tilespmem:s25+$0x10]  }
0x7f: {  	v9 =	vld [tilespmem:s29+$0x10]  }
0x80: {  	v10 =	vld [tilespmem:s28+$0x10];
	_ =	sdelay $0x2  }
0x81: {  	vm0 =	veq.s32 v8, v0;
	vm1 =	veq.s32 v8, v1  }
0x82: {  	vm0 =	vmor vm0, vm1;
	vm1 =	veq.s32 v8, v2  }
0x83: {  	vm0 =	vmor vm1, vm0;
	vm1 =	veq.s32 v8, v3  }
0x84: {  	vm0 =	vmor vm1, vm0;
	vm1 =	veq.s32 v8, v4  }
.Ltmp0:
0x85: {  	vm2 =	veq.s32 v9, v7;
	vm0 =	vmor vm1, vm0;
	vm1 =	vgt.s32 v9, v6;
	(pc) =	sbr.rel @p0 .LBB2_3-.Ltmp0, $4  }
0x86: {  	vm1 =	vmor vm1, vm0;
	vm2 =	vmor vm2, vm0  }
0x87: {  	v10 =	vsel vm1, v8, v10;
	v8 =	vsel vm2, v5, v8  }
0x88: {  	s25 =	sadd.s32 $0x40, s25;
	[tilespmem:s26+$0x10] =	vst v10  }
0x89: {  	s29 =	sadd.s32 $0x40, s29;
	s28 =	sadd.s32 $0x40, s28;
	s26 =	sadd.s32 $0x40, s26;
	[tilespmem:s22+$0x10] =	vst v8;
	v8 =	vsel vm0, v7, v9  }
0x8a: {  	[tilespmem:s23+$0x10] =	vst v8;
	s22 =	sadd.s32 s7, s21  }
0x8b: {  	[hbm4b:s22+s4] =	stream.linear.scatter [tilespmem:s16], [sflag:$0x1], $0x2000, $0x38;
	[tilespmem:$0xC080] =	vst v63  }
0x8c: {  	_ =	swait.ge [sflag:s12], $0x2000  }
0x8d: {  	[sflag:s12] =	ssyncset.done $0x0  }
0x8e: {  	s30 =	sadd.s32 s8, s21;
	[sflag:s12] =	ssyncadd.s32 $0xFFFFE000  }
0x8f: {  	[hbm4b:s30+s4] =	stream.linear.scatter [tilespmem:s17], [sflag:$0x1], $0x2000, $0x38;
	[tilespmem:$0xC080] =	vst v63  }
0x90: {  	s20 =	sadd.s32 $0x1, s20;
	_ =	swait.ge [sflag:s12], $0x2000  }
0x91: {  	p0 =	sne.s32 s20, $0x4;
	[sflag:s12] =	ssyncset.done $0x0  }
.Ltmp1:
0x92: {  	s31 =	sadd.s32 s9, s21;
	[sflag:s12] =	ssyncadd.s32 $0xFFFFE000;
	(pc) =	sbr.rel @p0 .LBB2_2-.Ltmp1, $4  }
0x93: {  	[hbm4b:s31+s4] =	stream.linear.scatter [tilespmem:s18], [sflag:$0x1], $0x2000, $0x38;
	[tilespmem:$0xC080] =	vst v63  }
0x94: {  	_ =	swait.ge [sflag:s12], $0x2000  }
0x95: {  	[sflag:s12] =	ssyncset.done $0x0  }
0x96: {  	[sflag:s12] =	ssyncadd.s32 $0xFFFFE000  }
0x97: {  	s19 =	sadd.s32 $0x1, s19  }
0x98: {  	p0 =	sne.s32 s19, s11  }
.Ltmp2:
0x99: {  	_ = 	snop;
	(pc) =	sbr.rel @p0 .LBB2_1-.Ltmp2, $1  }
0x9a: {  	_ =	sdelay $0x3  }
0x9b: {  	_ =	sfence.sel $0x180000  }
0x9c: {  	[bflag:$0x0] =	sbarrier.arrive $0xFFFF  }
0x9d: {  	p0 =	sne.s32 s5, $0x0;
	_ =	strace $0x90000047  }
0x9e: {  	s0 =	sadd.s32 @!p0 $0x100000, s0;
	[bflag:$0x2] =	sbarrier.arrive $0xFFFF  }
0x9f: {  	[sflag:s0] =	ssyncadd.tile.s32 @!p0 $0x1;
	_ =	shalt  }
.Lfunc_end2:
_tile_overlayer_lowered:
.L_overlay_start_2:
0xa0: {  	(tag) =	ssettag $0x2  }
0xa1: {  	s0 =	rddreg [dreg:$0x0];
	s2 =	stileid.u32  }
0xa2: {  	s1 =	rddreg [dreg:$0x1];
	p0 =	sne.s32 s2, $0x0  }
0xa3: {  	s3 =	rddreg [dreg:$0x2];
	[bflag:$0x3] =	sbarrier.arrive $0xFFFF;
	s2 =	simm.s32 @!p0 $0x1C01  }
0xa4: {  	[timem:s3], [sflag:s2] =	dma.local @!p0 [hbm:s0], s1  }
0xa5: {  	s0 =	simm.s32 @!p0 $0x1  }
0xa6: {  	_ =	swait.ge @!p0 [sflag:s0], s1  }
0xa7: {  	s1 =	ssub.s32 @!p0 $0x0, s1;
	[sflag:s0] =	ssyncset.done @!p0 $0x0  }
0xa8: {  	[sflag:s0] =	ssyncadd.s32 @!p0 s1  }
0xa9: {  	[bflag:$0x3] =	sbarrier.arrive $0xFFFF  }
0xaa: {  	_ =	shalt  }

</sc_bundles>
